<compile_context>
chip_gen: v7x
topology: tpu7x:2x2x1
jax: 0.10.2.dev20260603
libtpu: 0.0.44.dev20260713+nightly
codegen_flags: <defaults>
</compile_context>

<pallas_src>
import functools

import jax
import jax.numpy as jnp
from jax import lax
from jax.experimental import pallas as pl
from jax.experimental.pallas import tpu as pltpu
from jax.experimental.pallas import tpu_sc as plsc

HIDDEN = 1024
NUM_EXPERTS = 8
TOP_K = 2
BLOCK = 2048

N_TOKENS = 32768
SC_NW = 32
SC_TPW = N_TOKENS // SC_NW
SC_CT = 1024
SC_NCH = SC_TPW // SC_CT


def _scores_block(x_ref, wt_ref, scores_ref, st_ref):
    xb = x_ref[...]
    wt = wt_ref[...]
    logits = jnp.dot(xb, wt, preferred_element_type=jnp.float32)
    sp = jnp.maximum(logits, 0.0) + jnp.log(1.0 + jnp.exp(-jnp.abs(logits)))
    norm = jnp.sum(sp, axis=1, keepdims=True)
    sn = sp / jnp.maximum(norm, 1e-12)
    scores_ref[...] = sn
    st_ref[...] = sn.T


def _sc_topk_body(st_hbm, w1_hbm, w2_hbm, i1_hbm, i2_hbm,
                  sbuf, w1b, w2b, i1b, i2b):
    wid = lax.axis_index("s") * 2 + lax.axis_index("c")
    base = wid * SC_TPW

    def group(g, carry):
        v = [sbuf[e, pl.ds(g * 16, 16)] for e in range(NUM_EXPERTS)]

        m1 = v[0]
        for e in range(1, NUM_EXPERTS):
            m1 = jnp.maximum(m1, v[e])
        i1 = jnp.full((16,), NUM_EXPERTS - 1, jnp.int32)
        for e in range(NUM_EXPERTS - 2, -1, -1):
            i1 = jnp.where(v[e] == m1, jnp.full((16,), e, jnp.int32), i1)

        mv = [jnp.where(i1 == e, -1.0, v[e]) for e in range(NUM_EXPERTS)]
        m2 = mv[0]
        for e in range(1, NUM_EXPERTS):
            m2 = jnp.maximum(m2, mv[e])
        i2 = jnp.full((16,), NUM_EXPERTS - 1, jnp.int32)
        for e in range(NUM_EXPERTS - 2, -1, -1):
            i2 = jnp.where(mv[e] == m2, jnp.full((16,), e, jnp.int32), i2)

        sl = pl.ds(g * 16, 16)
        w1b[sl] = m1
        w2b[sl] = m2
        i1b[sl] = i1
        i2b[sl] = i2
        return carry

    for ch in range(SC_NCH):
        t0 = base + ch * SC_CT
        pltpu.sync_copy(st_hbm.at[:, pl.ds(t0, SC_CT)], sbuf)
        lax.fori_loop(0, SC_CT // 16, group, 0)
        sl = pl.ds(t0, SC_CT)
        pltpu.sync_copy(w1b, w1_hbm.at[sl])
        pltpu.sync_copy(w2b, w2_hbm.at[sl])
        pltpu.sync_copy(i1b, i1_hbm.at[sl])
        pltpu.sync_copy(i2b, i2_hbm.at[sl])


@functools.partial(
    pl.kernel,
    mesh=plsc.VectorSubcoreMesh(core_axis_name="c", subcore_axis_name="s"),
    out_type=[
        jax.ShapeDtypeStruct((N_TOKENS,), jnp.float32),
        jax.ShapeDtypeStruct((N_TOKENS,), jnp.float32),
        jax.ShapeDtypeStruct((N_TOKENS,), jnp.int32),
        jax.ShapeDtypeStruct((N_TOKENS,), jnp.int32),
    ],
    scratch_types=[
        pltpu.MemorySpace.VMEM((NUM_EXPERTS, SC_CT), jnp.float32),
        pltpu.MemorySpace.VMEM((SC_CT,), jnp.float32),
        pltpu.MemorySpace.VMEM((SC_CT,), jnp.float32),
        pltpu.MemorySpace.VMEM((SC_CT,), jnp.int32),
        pltpu.MemorySpace.VMEM((SC_CT,), jnp.int32),
    ],
)
def _sc_topk(st_hbm, w1_hbm, w2_hbm, i1_hbm, i2_hbm, sbuf, w1b, w2b, i1b, i2b):
    _sc_topk_body(st_hbm, w1_hbm, w2_hbm, i1_hbm, i2_hbm,
                  sbuf, w1b, w2b, i1b, i2b)


@jax.jit
def _router(x2d, wt):
    n = x2d.shape[0]
    grid = n // BLOCK
    scores, scores_t = pl.pallas_call(
        _scores_block,
        grid=(grid,),
        in_specs=[
            pl.BlockSpec((BLOCK, HIDDEN), lambda i: (i, 0)),
            pl.BlockSpec((HIDDEN, NUM_EXPERTS), lambda i: (0, 0)),
        ],
        out_specs=[
            pl.BlockSpec((BLOCK, NUM_EXPERTS), lambda i: (i, 0)),
            pl.BlockSpec((NUM_EXPERTS, BLOCK), lambda i: (0, i)),
        ],
        out_shape=[
            jax.ShapeDtypeStruct((n, NUM_EXPERTS), jnp.float32),
            jax.ShapeDtypeStruct((NUM_EXPERTS, n), jnp.float32),
        ],
    )(x2d, wt)
    w1, w2, i1, i2 = _sc_topk(scores_t)
    return scores, jnp.stack([w1, w2], axis=1), jnp.stack([i1, i2], axis=1)


def kernel(x, W):
    x2d = x.reshape(-1, x.shape[-1])
    scores, weights, indices = _router(x2d, W.T)
    return scores, weights, indices, jnp.float32(0.0)

# --- scband reference (transcript-rebuilt; emitter-appended) ---
"""Pipeline reference for scband-unsupervised-router-12120397709535 (READ-ONLY COPY).

The authoritative reference and input builder live on the scoring server;
editing this copy changes nothing except your own understanding.
"""

import jax, jax.numpy as jnp
import numpy as np

HIDDEN = 1024
NUM_EXPERTS = 8
TOP_K = 2

def setup_inputs(seed: int = 0) -> dict:
    key = jax.random.key(seed)
    k1, k2 = jax.random.split(key)
    x = jax.random.normal(k1, (4, 8192, HIDDEN), dtype=jnp.float32)
    # router linear weight (torch Linear: out = x @ W.T), init_method ~ small normal
    W = jax.random.normal(k2, (NUM_EXPERTS, HIDDEN), dtype=jnp.float32) * 0.02
    return {"x": x, "W": W}

def reference(x, W):
    # eval-mode forward of UnsupervisedRouter (no jitter, loss = 0)
    x = jax.lax.stop_gradient(x)  # x.detach()
    x2d = x.reshape(-1, x.shape[-1])
    logits = x2d @ W.T
    scores = jax.nn.softplus(logits)
    # F.normalize(scores, p=1, dim=1)
    norm = jnp.sum(jnp.abs(scores), axis=1, keepdims=True)
    scores = scores / jnp.maximum(norm, 1e-12)
    expert_weights, expert_indices = jax.lax.top_k(scores, TOP_K)
    expert_weights = jax.lax.stop_gradient(expert_weights)
    loss = jnp.float32(0.0)
    return scores, expert_weights, expert_indices, loss

if __name__ == "__main__":
    import jax
    _d = setup_inputs()
    print(jax.jit(kernel)(*tuple(_d.values())))

</pallas_src>

<mosaic_0001>
#map = affine_map<(d0, d1) -> (0, 0)>
#map1 = affine_map<(d0, d1) -> (0)>
module attributes {stable_mosaic.version = 14 : i64} {
  func.func @_sc_topk(%arg0: i32, %arg1: i32, %arg2: memref<8x32768xf32, #tpu.memory_space<hbm>>, %arg3: memref<32768xf32, #tpu.memory_space<hbm>>, %arg4: memref<32768xf32, #tpu.memory_space<hbm>>, %arg5: memref<32768xi32, #tpu.memory_space<hbm>>, %arg6: memref<32768xi32, #tpu.memory_space<hbm>>, %arg7: memref<8x1024xf32, #tpu.memory_space<vmem>>, %arg8: memref<1024xf32, #tpu.memory_space<vmem>>, %arg9: memref<1024xf32, #tpu.memory_space<vmem>>, %arg10: memref<1024xi32, #tpu.memory_space<vmem>>, %arg11: memref<1024xi32, #tpu.memory_space<vmem>>) attributes {dimension_semantics = [#tpu.dimension_semantics<core_parallel>, #tpu.dimension_semantics<subcore_parallel>], iteration_bounds = array<i64: 2, 16>, scalar_prefetch = 0 : i64, scratch_operands = 5 : i64, tpu.core_type = #tpu.core_type<sc_vector_subcore>, window_params = [{transform_indices = #map}, {transform_indices = #map1}, {transform_indices = #map1}, {transform_indices = #map1}, {transform_indices = #map1}]} {
    %mul3A = arith.constant 2 : i32
    %mul3A_0 = arith.muli %arg1, %mul3A : i32
    %add3A = arith.addi %mul3A_0, %arg0 : i32
    %mul3A_1 = arith.constant 1024 : i32
    %mul3A_2 = arith.muli %add3A, %mul3A_1 : i32
    %add3A_3 = arith.constant 0 : i32
    %add3A_4 = arith.addi %mul3A_2, %add3A_3 : i32
    "tpu.region"() ({
      %run_scoped3A = tpu.sem_alloc : memref<!tpu.dma_semaphore, #tpu.memory_space<semaphore_mem>>
      %dma_start3A = arith.constant 0 : i32
      %dma_start3A_10 = tpu.memref_slice %arg2[%dma_start3A, %add3A_4] : memref<8x32768xf32, #tpu.memory_space<hbm>> -> memref<8x1024xf32, #tpu.memory_space<hbm>>
      %dma_start3A_11 = arith.constant 0 : i32
      %dma_start3A_12 = tpu.memref_slice %arg2[%dma_start3A_11, %add3A_4] : memref<8x32768xf32, #tpu.memory_space<hbm>> -> memref<8x1024xf32, #tpu.memory_space<hbm>>
      tpu.enqueue_dma source(%dma_start3A_12 : memref<8x1024xf32, #tpu.memory_space<hbm>>) target(%arg7 : memref<8x1024xf32, #tpu.memory_space<vmem>>) target_semaphore(%run_scoped3A : memref<!tpu.dma_semaphore, #tpu.memory_space<semaphore_mem>>)
      %dma_wait3A = arith.constant 0 : i32
      %dma_wait3A_13 = tpu.memref_slice %arg2[%dma_wait3A, %add3A_4] : memref<8x32768xf32, #tpu.memory_space<hbm>> -> memref<8x1024xf32, #tpu.memory_space<hbm>>
      %dma_wait3A_14 = arith.constant 0 : i32
      %dma_wait3A_15 = tpu.memref_slice %arg2[%dma_wait3A_14, %add3A_4] : memref<8x32768xf32, #tpu.memory_space<hbm>> -> memref<8x1024xf32, #tpu.memory_space<hbm>>
      tpu.wait_dma2 semaphore(%run_scoped3A : memref<!tpu.dma_semaphore, #tpu.memory_space<semaphore_mem>>) src(%dma_wait3A_15 : memref<8x1024xf32, #tpu.memory_space<hbm>>) dst(%arg7 : memref<8x1024xf32, #tpu.memory_space<vmem>>)
      tpu.yield
    }) : () -> ()
    %scan3A = arith.constant 0 : i32
    %scan3A_5 = arith.constant 0 : i32
    %scan3A_6 = arith.constant 64 : i32
    %scan3A_7 = arith.addi %scan3A_5, %scan3A_6 : i32
    %scan3A_8 = arith.constant 1 : i32
    scf.for %scan3A_10 = %scan3A_5 to %scan3A_7 step %scan3A_8  : i32 {
      %mul3A_11 = arith.constant 16 : i32
      %mul3A_12 = arith.muli %scan3A_10, %mul3A_11 : i32
      %get3A = arith.constant 0 : i32
      %get3A_13 = arith.index_cast %get3A : i32 to index
      %get3A_14 = arith.index_cast %mul3A_12 : i32 to index
      %get3A_15 = tpu.vector_load %arg7[%get3A_13, %get3A_14] {strides = array<i32>} : memref<8x1024xf32, #tpu.memory_space<vmem>>, vector<1x16xf32>,
      %get3A_16 = vector.shape_cast %get3A_15 : vector<1x16xf32> to vector<16xf32>
      %mul3A_17 = arith.constant 16 : i32
      %mul3A_18 = arith.muli %scan3A_10, %mul3A_17 : i32
      %get3A_19 = arith.constant 1 : i32
      %get3A_20 = arith.index_cast %get3A_19 : i32 to index
      %get3A_21 = arith.index_cast %mul3A_18 : i32 to index
      %get3A_22 = tpu.vector_load %arg7[%get3A_20, %get3A_21] {strides = array<i32>} : memref<8x1024xf32, #tpu.memory_space<vmem>>, vector<1x16xf32>,
      %get3A_23 = vector.shape_cast %get3A_22 : vector<1x16xf32> to vector<16xf32>
      %mul3A_24 = arith.constant 16 : i32
      %mul3A_25 = arith.muli %scan3A_10, %mul3A_24 : i32
      %get3A_26 = arith.constant 2 : i32
      %get3A_27 = arith.index_cast %get3A_26 : i32 to index
      %get3A_28 = arith.index_cast %mul3A_25 : i32 to index
      %get3A_29 = tpu.vector_load %arg7[%get3A_27, %get3A_28] {strides = array<i32>} : memref<8x1024xf32, #tpu.memory_space<vmem>>, vector<1x16xf32>,
      %get3A_30 = vector.shape_cast %get3A_29 : vector<1x16xf32> to vector<16xf32>
      %mul3A_31 = arith.constant 16 : i32
      %mul3A_32 = arith.muli %scan3A_10, %mul3A_31 : i32
      %get3A_33 = arith.constant 3 : i32
      %get3A_34 = arith.index_cast %get3A_33 : i32 to index
      %get3A_35 = arith.index_cast %mul3A_32 : i32 to index
      %get3A_36 = tpu.vector_load %arg7[%get3A_34, %get3A_35] {strides = array<i32>} : memref<8x1024xf32, #tpu.memory_space<vmem>>, vector<1x16xf32>,
      %get3A_37 = vector.shape_cast %get3A_36 : vector<1x16xf32> to vector<16xf32>
      %mul3A_38 = arith.constant 16 : i32
      %mul3A_39 = arith.muli %scan3A_10, %mul3A_38 : i32
      %get3A_40 = arith.constant 4 : i32
      %get3A_41 = arith.index_cast %get3A_40 : i32 to index
      %get3A_42 = arith.index_cast %mul3A_39 : i32 to index
      %get3A_43 = tpu.vector_load %arg7[%get3A_41, %get3A_42] {strides = array<i32>} : memref<8x1024xf32, #tpu.memory_space<vmem>>, vector<1x16xf32>,
      %get3A_44 = vector.shape_cast %get3A_43 : vector<1x16xf32> to vector<16xf32>
      %mul3A_45 = arith.constant 16 : i32
      %mul3A_46 = arith.muli %scan3A_10, %mul3A_45 : i32
      %get3A_47 = arith.constant 5 : i32
      %get3A_48 = arith.index_cast %get3A_47 : i32 to index
      %get3A_49 = arith.index_cast %mul3A_46 : i32 to index
      %get3A_50 = tpu.vector_load %arg7[%get3A_48, %get3A_49] {strides = array<i32>} : memref<8x1024xf32, #tpu.memory_space<vmem>>, vector<1x16xf32>,
      %get3A_51 = vector.shape_cast %get3A_50 : vector<1x16xf32> to vector<16xf32>
      %mul3A_52 = arith.constant 16 : i32
      %mul3A_53 = arith.muli %scan3A_10, %mul3A_52 : i32
      %get3A_54 = arith.constant 6 : i32
      %get3A_55 = arith.index_cast %get3A_54 : i32 to index
      %get3A_56 = arith.index_cast %mul3A_53 : i32 to index
      %get3A_57 = tpu.vector_load %arg7[%get3A_55, %get3A_56] {strides = array<i32>} : memref<8x1024xf32, #tpu.memory_space<vmem>>, vector<1x16xf32>,
      %get3A_58 = vector.shape_cast %get3A_57 : vector<1x16xf32> to vector<16xf32>
      %mul3A_59 = arith.constant 16 : i32
      %mul3A_60 = arith.muli %scan3A_10, %mul3A_59 : i32
      %get3A_61 = arith.constant 7 : i32
      %get3A_62 = arith.index_cast %get3A_61 : i32 to index
      %get3A_63 = arith.index_cast %mul3A_60 : i32 to index
      %get3A_64 = tpu.vector_load %arg7[%get3A_62, %get3A_63] {strides = array<i32>} : memref<8x1024xf32, #tpu.memory_space<vmem>>, vector<1x16xf32>,
      %get3A_65 = vector.shape_cast %get3A_64 : vector<1x16xf32> to vector<16xf32>
      %max3A = arith.maximumf %get3A_16, %get3A_23 : vector<16xf32>
      %max3A_66 = arith.maximumf %max3A, %get3A_30 : vector<16xf32>
      %max3A_67 = arith.maximumf %max3A_66, %get3A_37 : vector<16xf32>
      %max3A_68 = arith.maximumf %max3A_67, %get3A_44 : vector<16xf32>
      %max3A_69 = arith.maximumf %max3A_68, %get3A_51 : vector<16xf32>
      %max3A_70 = arith.maximumf %max3A_69, %get3A_58 : vector<16xf32>
      %max3A_71 = arith.maximumf %max3A_70, %get3A_65 : vector<16xf32>
      %broadcast_in_dim3A = arith.constant 7 : i32
      %broadcast_in_dim3A_72 = vector.broadcast %broadcast_in_dim3A : i32 to vector<16xi32>
      %eq3A = arith.cmpf oeq, %get3A_58, %max3A_71 : vector<16xf32>
      %broadcast_in_dim3A_73 = arith.constant 6 : i32
      %broadcast_in_dim3A_74 = vector.broadcast %broadcast_in_dim3A_73 : i32 to vector<16xi32>
      %select_n3A = arith.select %eq3A, %broadcast_in_dim3A_74, %broadcast_in_dim3A_72 : vector<16xi1>, vector<16xi32>
      %eq3A_75 = arith.cmpf oeq, %get3A_51, %max3A_71 : vector<16xf32>
      %broadcast_in_dim3A_76 = arith.constant 5 : i32
      %broadcast_in_dim3A_77 = vector.broadcast %broadcast_in_dim3A_76 : i32 to vector<16xi32>
      %select_n3A_78 = arith.select %eq3A_75, %broadcast_in_dim3A_77, %select_n3A : vector<16xi1>, vector<16xi32>
      %eq3A_79 = arith.cmpf oeq, %get3A_44, %max3A_71 : vector<16xf32>
      %broadcast_in_dim3A_80 = arith.constant 4 : i32
      %broadcast_in_dim3A_81 = vector.broadcast %broadcast_in_dim3A_80 : i32 to vector<16xi32>
      %select_n3A_82 = arith.select %eq3A_79, %broadcast_in_dim3A_81, %select_n3A_78 : vector<16xi1>, vector<16xi32>
      %eq3A_83 = arith.cmpf oeq, %get3A_37, %max3A_71 : vector<16xf32>
      %broadcast_in_dim3A_84 = arith.constant 3 : i32
      %broadcast_in_dim3A_85 = vector.broadcast %broadcast_in_dim3A_84 : i32 to vector<16xi32>
      %select_n3A_86 = arith.select %eq3A_83, %broadcast_in_dim3A_85, %select_n3A_82 : vector<16xi1>, vector<16xi32>
      %eq3A_87 = arith.cmpf oeq, %get3A_30, %max3A_71 : vector<16xf32>
      %broadcast_in_dim3A_88 = arith.constant 2 : i32
      %broadcast_in_dim3A_89 = vector.broadcast %broadcast_in_dim3A_88 : i32 to vector<16xi32>
      %select_n3A_90 = arith.select %eq3A_87, %broadcast_in_dim3A_89, %select_n3A_86 : vector<16xi1>, vector<16xi32>
      %eq3A_91 = arith.cmpf oeq, %get3A_23, %max3A_71 : vector<16xf32>
      %broadcast_in_dim3A_92 = arith.constant 1 : i32
      %broadcast_in_dim3A_93 = vector.broadcast %broadcast_in_dim3A_92 : i32 to vector<16xi32>
      %select_n3A_94 = arith.select %eq3A_91, %broadcast_in_dim3A_93, %select_n3A_90 : vector<16xi1>, vector<16xi32>
      %eq3A_95 = arith.cmpf oeq, %get3A_16, %max3A_71 : vector<16xf32>
      %broadcast_in_dim3A_96 = arith.constant 0 : i32
      %broadcast_in_dim3A_97 = vector.broadcast %broadcast_in_dim3A_96 : i32 to vector<16xi32>
      %select_n3A_98 = arith.select %eq3A_95, %broadcast_in_dim3A_97, %select_n3A_94 : vector<16xi1>, vector<16xi32>
      %eq3A_99 = arith.constant 0 : i32
      %eq3A_100 = vector.broadcast %eq3A_99 : i32 to vector<16xi32>
      %eq3A_101 = arith.cmpi eq, %select_n3A_98, %eq3A_100 : vector<16xi32>
      %jit3A = arith.constant -1.000000e+00 : f32
      %broadcast_in_dim3A_102 = vector.broadcast %jit3A : f32 to vector<16xf32>
      %select_n3A_103 = arith.select %eq3A_101, %broadcast_in_dim3A_102, %get3A_16 : vector<16xi1>, vector<16xf32>
      %eq3A_104 = arith.constant 1 : i32
      %eq3A_105 = vector.broadcast %eq3A_104 : i32 to vector<16xi32>
      %eq3A_106 = arith.cmpi eq, %select_n3A_98, %eq3A_105 : vector<16xi32>
      %jit3A_107 = arith.constant -1.000000e+00 : f32
      %broadcast_in_dim3A_108 = vector.broadcast %jit3A_107 : f32 to vector<16xf32>
      %select_n3A_109 = arith.select %eq3A_106, %broadcast_in_dim3A_108, %get3A_23 : vector<16xi1>, vector<16xf32>
      %eq3A_110 = arith.constant 2 : i32
      %eq3A_111 = vector.broadcast %eq3A_110 : i32 to vector<16xi32>
      %eq3A_112 = arith.cmpi eq, %select_n3A_98, %eq3A_111 : vector<16xi32>
      %jit3A_113 = arith.constant -1.000000e+00 : f32
      %broadcast_in_dim3A_114 = vector.broadcast %jit3A_113 : f32 to vector<16xf32>
      %select_n3A_115 = arith.select %eq3A_112, %broadcast_in_dim3A_114, %get3A_30 : vector<16xi1>, vector<16xf32>
      %eq3A_116 = arith.constant 3 : i32
      %eq3A_117 = vector.broadcast %eq3A_116 : i32 to vector<16xi32>
      %eq3A_118 = arith.cmpi eq, %select_n3A_98, %eq3A_117 : vector<16xi32>
      %jit3A_119 = arith.constant -1.000000e+00 : f32
      %broadcast_in_dim3A_120 = vector.broadcast %jit3A_119 : f32 to vector<16xf32>
      %select_n3A_121 = arith.select %eq3A_118, %broadcast_in_dim3A_120, %get3A_37 : vector<16xi1>, vector<16xf32>
      %eq3A_122 = arith.constant 4 : i32
      %eq3A_123 = vector.broadcast %eq3A_122 : i32 to vector<16xi32>
      %eq3A_124 = arith.cmpi eq, %select_n3A_98, %eq3A_123 : vector<16xi32>
      %jit3A_125 = arith.constant -1.000000e+00 : f32
      %broadcast_in_dim3A_126 = vector.broadcast %jit3A_125 : f32 to vector<16xf32>
      %select_n3A_127 = arith.select %eq3A_124, %broadcast_in_dim3A_126, %get3A_44 : vector<16xi1>, vector<16xf32>
      %eq3A_128 = arith.constant 5 : i32
      %eq3A_129 = vector.broadcast %eq3A_128 : i32 to vector<16xi32>
      %eq3A_130 = arith.cmpi eq, %select_n3A_98, %eq3A_129 : vector<16xi32>
      %jit3A_131 = arith.constant -1.000000e+00 : f32
      %broadcast_in_dim3A_132 = vector.broadcast %jit3A_131 : f32 to vector<16xf32>
      %select_n3A_133 = arith.select %eq3A_130, %broadcast_in_dim3A_132, %get3A_51 : vector<16xi1>, vector<16xf32>
      %eq3A_134 = arith.constant 6 : i32
      %eq3A_135 = vector.broadcast %eq3A_134 : i32 to vector<16xi32>
      %eq3A_136 = arith.cmpi eq, %select_n3A_98, %eq3A_135 : vector<16xi32>
      %jit3A_137 = arith.constant -1.000000e+00 : f32
      %broadcast_in_dim3A_138 = vector.broadcast %jit3A_137 : f32 to vector<16xf32>
      %select_n3A_139 = arith.select %eq3A_136, %broadcast_in_dim3A_138, %get3A_58 : vector<16xi1>, vector<16xf32>
      %eq3A_140 = arith.constant 7 : i32
      %eq3A_141 = vector.broadcast %eq3A_140 : i32 to vector<16xi32>
      %eq3A_142 = arith.cmpi eq, %select_n3A_98, %eq3A_141 : vector<16xi32>
      %jit3A_143 = arith.constant -1.000000e+00 : f32
      %broadcast_in_dim3A_144 = vector.broadcast %jit3A_143 : f32 to vector<16xf32>
      %select_n3A_145 = arith.select %eq3A_142, %broadcast_in_dim3A_144, %get3A_65 : vector<16xi1>, vector<16xf32>
      %max3A_146 = arith.maximumf %select_n3A_103, %select_n3A_109 : vector<16xf32>
      %max3A_147 = arith.maximumf %max3A_146, %select_n3A_115 : vector<16xf32>
      %max3A_148 = arith.maximumf %max3A_147, %select_n3A_121 : vector<16xf32>
      %max3A_149 = arith.maximumf %max3A_148, %select_n3A_127 : vector<16xf32>
      %max3A_150 = arith.maximumf %max3A_149, %select_n3A_133 : vector<16xf32>
      %max3A_151 = arith.maximumf %max3A_150, %select_n3A_139 : vector<16xf32>
      %max3A_152 = arith.maximumf %max3A_151, %select_n3A_145 : vector<16xf32>
      %broadcast_in_dim3A_153 = arith.constant 7 : i32
      %broadcast_in_dim3A_154 = vector.broadcast %broadcast_in_dim3A_153 : i32 to vector<16xi32>
      %eq3A_155 = arith.cmpf oeq, %select_n3A_139, %max3A_152 : vector<16xf32>
      %broadcast_in_dim3A_156 = arith.constant 6 : i32
      %broadcast_in_dim3A_157 = vector.broadcast %broadcast_in_dim3A_156 : i32 to vector<16xi32>
      %select_n3A_158 = arith.select %eq3A_155, %broadcast_in_dim3A_157, %broadcast_in_dim3A_154 : vector<16xi1>, vector<16xi32>
      %eq3A_159 = arith.cmpf oeq, %select_n3A_133, %max3A_152 : vector<16xf32>
      %broadcast_in_dim3A_160 = arith.constant 5 : i32
      %broadcast_in_dim3A_161 = vector.broadcast %broadcast_in_dim3A_160 : i32 to vector<16xi32>
      %select_n3A_162 = arith.select %eq3A_159, %broadcast_in_dim3A_161, %select_n3A_158 : vector<16xi1>, vector<16xi32>
      %eq3A_163 = arith.cmpf oeq, %select_n3A_127, %max3A_152 : vector<16xf32>
      %broadcast_in_dim3A_164 = arith.constant 4 : i32
      %broadcast_in_dim3A_165 = vector.broadcast %broadcast_in_dim3A_164 : i32 to vector<16xi32>
      %select_n3A_166 = arith.select %eq3A_163, %broadcast_in_dim3A_165, %select_n3A_162 : vector<16xi1>, vector<16xi32>
      %eq3A_167 = arith.cmpf oeq, %select_n3A_121, %max3A_152 : vector<16xf32>
      %broadcast_in_dim3A_168 = arith.constant 3 : i32
      %broadcast_in_dim3A_169 = vector.broadcast %broadcast_in_dim3A_168 : i32 to vector<16xi32>
      %select_n3A_170 = arith.select %eq3A_167, %broadcast_in_dim3A_169, %select_n3A_166 : vector<16xi1>, vector<16xi32>
      %eq3A_171 = arith.cmpf oeq, %select_n3A_115, %max3A_152 : vector<16xf32>
      %broadcast_in_dim3A_172 = arith.constant 2 : i32
      %broadcast_in_dim3A_173 = vector.broadcast %broadcast_in_dim3A_172 : i32 to vector<16xi32>
      %select_n3A_174 = arith.select %eq3A_171, %broadcast_in_dim3A_173, %select_n3A_170 : vector<16xi1>, vector<16xi32>
      %eq3A_175 = arith.cmpf oeq, %select_n3A_109, %max3A_152 : vector<16xf32>
      %broadcast_in_dim3A_176 = arith.constant 1 : i32
      %broadcast_in_dim3A_177 = vector.broadcast %broadcast_in_dim3A_176 : i32 to vector<16xi32>
      %select_n3A_178 = arith.select %eq3A_175, %broadcast_in_dim3A_177, %select_n3A_174 : vector<16xi1>, vector<16xi32>
      %eq3A_179 = arith.cmpf oeq, %select_n3A_103, %max3A_152 : vector<16xf32>
      %broadcast_in_dim3A_180 = arith.constant 0 : i32
      %broadcast_in_dim3A_181 = vector.broadcast %broadcast_in_dim3A_180 : i32 to vector<16xi32>
      %select_n3A_182 = arith.select %eq3A_179, %broadcast_in_dim3A_181, %select_n3A_178 : vector<16xi1>, vector<16xi32>
      %mul3A_183 = arith.constant 16 : i32
      %mul3A_184 = arith.muli %scan3A_10, %mul3A_183 : i32
      %swap3A = arith.index_cast %mul3A_184 : i32 to index
      %swap3A_185 = tpu.vector_load %arg8[%swap3A] {strides = array<i32>} : memref<1024xf32, #tpu.memory_space<vmem>>, vector<16xf32>,
      %swap3A_186 = vector.shape_cast %swap3A_185 : vector<16xf32> to vector<16xf32>
      %swap3A_187 = vector.shape_cast %max3A_71 : vector<16xf32> to vector<16xf32>
      tpu.vector_store %arg8[%swap3A], %swap3A_187 {strides = array<i32>} : memref<1024xf32, #tpu.memory_space<vmem>>, vector<16xf32>,
      %swap3A_188 = arith.index_cast %mul3A_184 : i32 to index
      %swap3A_189 = tpu.vector_load %arg9[%swap3A_188] {strides = array<i32>} : memref<1024xf32, #tpu.memory_space<vmem>>, vector<16xf32>,
      %swap3A_190 = vector.shape_cast %swap3A_189 : vector<16xf32> to vector<16xf32>
      %swap3A_191 = vector.shape_cast %max3A_152 : vector<16xf32> to vector<16xf32>
      tpu.vector_store %arg9[%swap3A_188], %swap3A_191 {strides = array<i32>} : memref<1024xf32, #tpu.memory_space<vmem>>, vector<16xf32>,
      %swap3A_192 = arith.index_cast %mul3A_184 : i32 to index
      %swap3A_193 = tpu.vector_load %arg10[%swap3A_192] {strides = array<i32>} : memref<1024xi32, #tpu.memory_space<vmem>>, vector<16xi32>,
      %swap3A_194 = vector.shape_cast %swap3A_193 : vector<16xi32> to vector<16xi32>
      %swap3A_195 = vector.shape_cast %select_n3A_98 : vector<16xi32> to vector<16xi32>
      tpu.vector_store %arg10[%swap3A_192], %swap3A_195 {strides = array<i32>} : memref<1024xi32, #tpu.memory_space<vmem>>, vector<16xi32>,
      %swap3A_196 = arith.index_cast %mul3A_184 : i32 to index
      %swap3A_197 = tpu.vector_load %arg11[%swap3A_196] {strides = array<i32>} : memref<1024xi32, #tpu.memory_space<vmem>>, vector<16xi32>,
      %swap3A_198 = vector.shape_cast %swap3A_197 : vector<16xi32> to vector<16xi32>
      %swap3A_199 = vector.shape_cast %select_n3A_182 : vector<16xi32> to vector<16xi32>
      tpu.vector_store %arg11[%swap3A_196], %swap3A_199 {strides = array<i32>} : memref<1024xi32, #tpu.memory_space<vmem>>, vector<16xi32>,
    }
    %scan3A_9 = arith.constant 64 : i32
    "tpu.region"() ({
      %run_scoped3A = tpu.sem_alloc : memref<!tpu.dma_semaphore, #tpu.memory_space<semaphore_mem>>
      %dma_start3A = tpu.memref_slice %arg3[%add3A_4] : memref<32768xf32, #tpu.memory_space<hbm>> -> memref<1024xf32, #tpu.memory_space<hbm>>
      %dma_start3A_10 = tpu.memref_slice %arg3[%add3A_4] : memref<32768xf32, #tpu.memory_space<hbm>> -> memref<1024xf32, #tpu.memory_space<hbm>>
      tpu.enqueue_dma source(%arg8 : memref<1024xf32, #tpu.memory_space<vmem>>) target(%dma_start3A_10 : memref<1024xf32, #tpu.memory_space<hbm>>) target_semaphore(%run_scoped3A : memref<!tpu.dma_semaphore, #tpu.memory_space<semaphore_mem>>)
      %dma_wait3A = tpu.memref_slice %arg3[%add3A_4] : memref<32768xf32, #tpu.memory_space<hbm>> -> memref<1024xf32, #tpu.memory_space<hbm>>
      %dma_wait3A_11 = tpu.memref_slice %arg3[%add3A_4] : memref<32768xf32, #tpu.memory_space<hbm>> -> memref<1024xf32, #tpu.memory_space<hbm>>
      tpu.wait_dma2 semaphore(%run_scoped3A : memref<!tpu.dma_semaphore, #tpu.memory_space<semaphore_mem>>) src(%arg8 : memref<1024xf32, #tpu.memory_space<vmem>>) dst(%dma_wait3A_11 : memref<1024xf32, #tpu.memory_space<hbm>>)
      tpu.yield
    }) : () -> ()
    "tpu.region"() ({
      %run_scoped3A = tpu.sem_alloc : memref<!tpu.dma_semaphore, #tpu.memory_space<semaphore_mem>>
      %dma_start3A = tpu.memref_slice %arg4[%add3A_4] : memref<32768xf32, #tpu.memory_space<hbm>> -> memref<1024xf32, #tpu.memory_space<hbm>>
      %dma_start3A_10 = tpu.memref_slice %arg4[%add3A_4] : memref<32768xf32, #tpu.memory_space<hbm>> -> memref<1024xf32, #tpu.memory_space<hbm>>
      tpu.enqueue_dma source(%arg9 : memref<1024xf32, #tpu.memory_space<vmem>>) target(%dma_start3A_10 : memref<1024xf32, #tpu.memory_space<hbm>>) target_semaphore(%run_scoped3A : memref<!tpu.dma_semaphore, #tpu.memory_space<semaphore_mem>>)
      %dma_wait3A = tpu.memref_slice %arg4[%add3A_4] : memref<32768xf32, #tpu.memory_space<hbm>> -> memref<1024xf32, #tpu.memory_space<hbm>>
      %dma_wait3A_11 = tpu.memref_slice %arg4[%add3A_4] : memref<32768xf32, #tpu.memory_space<hbm>> -> memref<1024xf32, #tpu.memory_space<hbm>>
      tpu.wait_dma2 semaphore(%run_scoped3A : memref<!tpu.dma_semaphore, #tpu.memory_space<semaphore_mem>>) src(%arg9 : memref<1024xf32, #tpu.memory_space<vmem>>) dst(%dma_wait3A_11 : memref<1024xf32, #tpu.memory_space<hbm>>)
      tpu.yield
    }) : () -> ()
    "tpu.region"() ({
      %run_scoped3A = tpu.sem_alloc : memref<!tpu.dma_semaphore, #tpu.memory_space<semaphore_mem>>
      %dma_start3A = tpu.memref_slice %arg5[%add3A_4] : memref<32768xi32, #tpu.memory_space<hbm>> -> memref<1024xi32, #tpu.memory_space<hbm>>
      %dma_start3A_10 = tpu.memref_slice %arg5[%add3A_4] : memref<32768xi32, #tpu.memory_space<hbm>> -> memref<1024xi32, #tpu.memory_space<hbm>>
      tpu.enqueue_dma source(%arg10 : memref<1024xi32, #tpu.memory_space<vmem>>) target(%dma_start3A_10 : memref<1024xi32, #tpu.memory_space<hbm>>) target_semaphore(%run_scoped3A : memref<!tpu.dma_semaphore, #tpu.memory_space<semaphore_mem>>)
      %dma_wait3A = tpu.memref_slice %arg5[%add3A_4] : memref<32768xi32, #tpu.memory_space<hbm>> -> memref<1024xi32, #tpu.memory_space<hbm>>
      %dma_wait3A_11 = tpu.memref_slice %arg5[%add3A_4] : memref<32768xi32, #tpu.memory_space<hbm>> -> memref<1024xi32, #tpu.memory_space<hbm>>
      tpu.wait_dma2 semaphore(%run_scoped3A : memref<!tpu.dma_semaphore, #tpu.memory_space<semaphore_mem>>) src(%arg10 : memref<1024xi32, #tpu.memory_space<vmem>>) dst(%dma_wait3A_11 : memref<1024xi32, #tpu.memory_space<hbm>>)
      tpu.yield
    }) : () -> ()
    "tpu.region"() ({
      %run_scoped3A = tpu.sem_alloc : memref<!tpu.dma_semaphore, #tpu.memory_space<semaphore_mem>>
      %dma_start3A = tpu.memref_slice %arg6[%add3A_4] : memref<32768xi32, #tpu.memory_space<hbm>> -> memref<1024xi32, #tpu.memory_space<hbm>>
      %dma_start3A_10 = tpu.memref_slice %arg6[%add3A_4] : memref<32768xi32, #tpu.memory_space<hbm>> -> memref<1024xi32, #tpu.memory_space<hbm>>
      tpu.enqueue_dma source(%arg11 : memref<1024xi32, #tpu.memory_space<vmem>>) target(%dma_start3A_10 : memref<1024xi32, #tpu.memory_space<hbm>>) target_semaphore(%run_scoped3A : memref<!tpu.dma_semaphore, #tpu.memory_space<semaphore_mem>>)
      %dma_wait3A = tpu.memref_slice %arg6[%add3A_4] : memref<32768xi32, #tpu.memory_space<hbm>> -> memref<1024xi32, #tpu.memory_space<hbm>>
      %dma_wait3A_11 = tpu.memref_slice %arg6[%add3A_4] : memref<32768xi32, #tpu.memory_space<hbm>> -> memref<1024xi32, #tpu.memory_space<hbm>>
      tpu.wait_dma2 semaphore(%run_scoped3A : memref<!tpu.dma_semaphore, #tpu.memory_space<semaphore_mem>>) src(%arg11 : memref<1024xi32, #tpu.memory_space<vmem>>) dst(%dma_wait3A_11 : memref<1024xi32, #tpu.memory_space<hbm>>)
      tpu.yield
    }) : () -> ()
    return
  }
}

module attributes {stable_mosaic.version = 14 : i64} {
  func.func @_scores_block(%arg0: i32, %arg1: memref<2048x1024xf32, #tpu.memory_space<vmem>>, %arg2: memref<1024x8xf32, #tpu.memory_space<vmem>>, %arg3: memref<2048x8xf32, #tpu.memory_space<vmem>>, %arg4: memref<8x2048xf32, #tpu.memory_space<vmem>>) attributes {dimension_semantics = [#tpu.dimension_semantics<arbitrary>], iteration_bounds = array<i64: 16>, scalar_prefetch = 0 : i64, scratch_operands = 0 : i64, tpu.core_type = #tpu.core_type<tc>, window_params = [{transform_indices = @transform_0, window_bounds = array<i64: 2048, 1024>}, {pipeline_mode = #tpu.pipeline_mode<synchronous>, transform_indices = @transform_1, window_bounds = array<i64: 1024, 8>}, {transform_indices = @transform_2, window_bounds = array<i64: 2048, 8>}, {transform_indices = @transform_3, window_bounds = array<i64: 8, 2048>}]} {
    %get3A = arith.constant 0 : index
    %get3A_0 = arith.constant 0 : index
    %get3A_1 = vector.load %arg1[%get3A, %get3A_0] : memref<2048x1024xf32, #tpu.memory_space<vmem>>, vector<2048x1024xf32>
    %get3A_2 = arith.constant 0 : index
    %get3A_3 = arith.constant 0 : index
    %get3A_4 = vector.load %arg2[%get3A_2, %get3A_3] : memref<1024x8xf32, #tpu.memory_space<vmem>>, vector<1024x8xf32>
    %dot_general3A = arith.constant dense<0.000000e+00> : vector<2048x8xf32>
    %dot_general3A_5 = tpu.matmul %get3A_1, %get3A_4, %dot_general3A {dimension_numbers = #tpu.dot_dimension_numbers<[1], [0], [0], [1], [0, 0, 1, 1], [], []>, transpose_lhs_hint = false} : vector<2048x1024xf32>, vector<1024x8xf32>, vector<2048x8xf32> -> vector<2048x8xf32>
    %max3A = arith.constant 0.000000e+00 : f32
    %max3A_6 = vector.broadcast %max3A : f32 to vector<2048x8xf32>
    %max3A_7 = arith.maximumf %dot_general3A_5, %max3A_6 : vector<2048x8xf32>
    %abs3A = math.absf %dot_general3A_5 : vector<2048x8xf32>
    %neg3A = arith.constant 0.000000e+00 : f32
    %neg3A_8 = vector.broadcast %neg3A : f32 to vector<2048x8xf32>
    %neg3A_9 = arith.subf %neg3A_8, %abs3A : vector<2048x8xf32>
    %exp3A = math.exp %neg3A_9 : vector<2048x8xf32>
    %add3A = arith.constant 1.000000e+00 : f32
    %add3A_10 = vector.broadcast %add3A : f32 to vector<2048x8xf32>
    %add3A_11 = arith.addf %add3A_10, %exp3A : vector<2048x8xf32>
    %log3A = math.log %add3A_11 : vector<2048x8xf32>
    %add3A_12 = arith.addf %max3A_7, %log3A : vector<2048x8xf32>
    %reduce_sum3A = arith.constant dense<0.000000e+00> : vector<2048xf32>
    %reduce_sum3A_13 = vector.multi_reduction <add>, %add3A_12, %reduce_sum3A [1] : vector<2048x8xf32> to vector<2048xf32>
    %broadcast_in_dim3A = vector.shape_cast %reduce_sum3A_13 : vector<2048xf32> to vector<2048x1xf32>
    %max3A_14 = arith.constant 9.99999996E-13 : f32
    %max3A_15 = vector.broadcast %max3A_14 : f32 to vector<2048x1xf32>
    %max3A_16 = arith.maximumf %broadcast_in_dim3A, %max3A_15 : vector<2048x1xf32>
    %div3A = vector.broadcast %max3A_16 : vector<2048x1xf32> to vector<2048x8xf32>
    %div3A_17 = arith.divf %add3A_12, %div3A : vector<2048x8xf32>
    %swap3A = arith.constant 0 : index
    %swap3A_18 = arith.constant 0 : index
    %swap3A_19 = vector.load %arg3[%swap3A, %swap3A_18] : memref<2048x8xf32, #tpu.memory_space<vmem>>, vector<2048x8xf32>
    tpu.vector_store %arg3[%swap3A, %swap3A_18], %div3A_17 {strides = array<i32>} : memref<2048x8xf32, #tpu.memory_space<vmem>>, vector<2048x8xf32>,
    %transpose3A = tpu.transpose %div3A_17, [1, 0] : vector<2048x8xf32> -> vector<8x2048xf32>
    %swap3A_20 = arith.constant 0 : index
    %swap3A_21 = arith.constant 0 : index
    %swap3A_22 = vector.load %arg4[%swap3A_20, %swap3A_21] : memref<8x2048xf32, #tpu.memory_space<vmem>>, vector<8x2048xf32>
    tpu.vector_store %arg4[%swap3A_20, %swap3A_21], %transpose3A {strides = array<i32>} : memref<8x2048xf32, #tpu.memory_space<vmem>>, vector<8x2048xf32>,
    return
  }
  func.func @transform_0(%arg0: i32) -> (i32, i32) {
    %c0_i32 = arith.constant 0 : i32
    %c0_i32_0 = arith.constant 0 : i32
    return %arg0, %c0_i32 : i32, i32
  }
  func.func @transform_1(%arg0: i32) -> (i32, i32) {
    %c0_i32 = arith.constant 0 : i32
    %c0_i32_0 = arith.constant 0 : i32
    %c0_i32_1 = arith.constant 0 : i32
    return %c0_i32, %c0_i32_0 : i32, i32
  }
  func.func @transform_2(%arg0: i32) -> (i32, i32) {
    %c0_i32 = arith.constant 0 : i32
    %c0_i32_0 = arith.constant 0 : i32
    return %arg0, %c0_i32 : i32, i32
  }
  func.func @transform_3(%arg0: i32) -> (i32, i32) {
    %c0_i32 = arith.constant 0 : i32
    %c0_i32_0 = arith.constant 0 : i32
    return %c0_i32, %arg0 : i32, i32
  }
}

</mosaic_0001>

<sc_bundles>
// kernel: _router.4.cloned.1.call-start
scs
__scs_entry_jumppad:
0x0: {  	(pc) =	sbr.rel $0x88, $3  }
0x1: {  	(tag) =	ssettag $0x0;
	lr =	simm.s32 $0x1  }
0x2: {  	[smem:$0x3F9F] =	sst lr;
	_ =	strace $0xD0000000  }
0x3: {  	_ = 	snop  }
0x4: {  	_ = 	snop  }
0x5: {  	_ = 	snop  }
0x6: {  	_ = 	snop  }
0x7: {  	_ = 	snop  }
__scs_overlays_trampoline_lowered:
0x8: {  	[smem:$0x3FAE] =	sst s0  }
0x9: {  	[smem:$0x3FAF] =	sst s1  }
0xa: {  	[smem:$0x3FB0] =	sst s2  }
0xb: {  	[smem:$0x3FB1] =	sst s3  }
0xc: {  	[smem:$0x3FB2] =	sst s4  }
0xd: {  	[smem:$0x3FB3] =	sst s5  }
0xe: {  	[smem:$0x3FB4] =	sst s6  }
0xf: {  	[smem:$0x3FB5] =	sst s7  }
0x10: {  	[smem:$0x3FB6] =	sst s8  }
0x11: {  	[smem:$0x3FB7] =	sst s9;
	s0 =	simm.s32 @!p0 $0x0  }
0x12: {  	s1 =	sld [smem:$0x3F9D];
	s0 =	simm.s32 @p0 $0x1  }
0x13: {  	[smem:$0x3FB8] =	sst s0;
	s0 =	simm.s32 @!p1 $0x0  }
0x14: {  	s2 =	sld [smem:$0x3F9C];
	s0 =	simm.s32 @p1 $0x1  }
0x15: {  	[smem:$0x3FB9] =	sst s0;
	s0 =	simm.s32 @!p2 $0x0  }
0x16: {  	s3 =	sld [smem:$0x3FDB];
	s0 =	simm.s32 @p2 $0x1  }
0x17: {  	s4 =	simm.s32 $0x1BF5;
	[smem:$0x3FBB] =	sst s0  }
0x18: {  	s0 =	sld [smem:$0x3F9E];
	_ =	swait.ge [sflag:s4], $0x0  }
0x19: {  	s7 =	sld [smem:$0x3F9F]  }
0x1a: {  	s8 =	sadd.s32 $0xFFFFE003, lr  }
0x1b: {  	s9 =	sadd.s32 $0xFFFFFEF7, lr;
	s5 =	simm.s32 $0xFFFFFFFF;
	p2 =	slt.u32 s8, $0xFFFFF086  }
0x1c: {  	p1 =	slt.u32 s9, $0xF7A;
	s5 =	simm.s32 @!p2 $0x0  }
0x1d: {  	s5 =	simm.s32 @p1 $0x1;
	p0 =	seq.s32 s7, s2  }
0x1e: {  	s7 =	smul.u32 @!p0 $0xF7A, s2;
	p2 =	seq.s32 @!p0 s5, $0x0  }
0x1f: {  	s9 =	smul.u32 $0xF7A, s1;
	s8 =	simm.s32 @!p0 $0x1BF5;
	p2 =	por !p2, p0  }
0x20: {  	[sflag:s8] =	ssyncset.s32 @!p0 $0xFFFFF086;
	s6 =	sadd.s32 @!p0 s3, s7;
	s7 =	simm.s32 @!p0 $0x108  }
0x21: {  	s3 =	sadd.s32 s3, s9;
	s6 =	sadd.s32 @!p0 $0x88, s6;
	s7 =	simm.s32 @p2 $0x1082  }
0x22: {  	[simem:s7], [sflag:s8] =	dma.local @!p0 [hbm:s6], $0xF7A  }
0x23: {  	s9 =	sor.u32 $0xD0000000, s2;
	s6 =	simm.s32 $0x108;
	_ =	swait.ge @!p0 [sflag:s8], $0x0  }
0x24: {  	s3 =	sadd.s32 $0x88, s3;
	s6 =	simm.s32 @!p1 $0x1082;
	[sflag:s4] =	ssyncset.s32 $0xFFFFF086  }
0x25: {  	[simem:s6], [sflag:s4] =	dma.local [hbm:s3], $0xF7A  }
0x26: {  	[smem:$0x3F9F] =	sst s1;
	(tag) =	ssettag s2;
	_ =	strace s9  }
0x27: {  	s1 =	sld [smem:$0x3FAF]  }
0x28: {  	s2 =	sld [smem:$0x3FB0]  }
0x29: {  	s4 =	sld [smem:$0x3FB2]  }
0x2a: {  	p0 =	seq.s32 s5, $0x0;
	s5 =	sld [smem:$0x3FB3]  }
0x2b: {  	s6 =	sld [smem:$0x3FB4]  }
0x2c: {  	s7 =	sld [smem:$0x3FB5]  }
0x2d: {  	s3 =	simm.s32 $0x108;
	s8 =	sld [smem:$0x3FB6]  }
0x2e: {  	s3 =	simm.s32 @!p0 $0x1082;
	s9 =	sld [smem:$0x3FB7]  }
0x2f: {  	lr =	sadd.s32 s0, s3;
	s0 =	sld [smem:$0x3FAE]  }
0x30: {  	s3 =	sld [smem:$0x3FB1]  }
0x31: {  	[smem:$0x3FBA] =	sst s10  }
0x32: {  	s10 =	sld [smem:$0x3FB8];
	_ =	sdelay $0x3  }
0x33: {  	p0 =	seq.s32 s10, $0x1;
	s10 =	sld [smem:$0x3FBA];
	_ =	sdelay $0x3  }
0x34: {  	[smem:$0x3FBA] =	sst s10  }
0x35: {  	s10 =	sld [smem:$0x3FB9];
	_ =	sdelay $0x3  }
0x36: {  	p1 =	seq.s32 s10, $0x1;
	s10 =	sld [smem:$0x3FBA];
	_ =	sdelay $0x3  }
0x37: {  	[smem:$0x3FBA] =	sst s10  }
0x38: {  	s10 =	sld [smem:$0x3FBB]  }
0x39: {  	_ = 	snop;
	(pc) =	sbr.ind lr, $3  }
0x3a: {  	_ = 	snop  }
0x3b: {  	_ = 	snop  }
0x3c: {  	p2 =	seq.s32 s10, $0x1;
	s10 =	sld [smem:$0x3FBA]  }
0x3d: {  	_ =	shalt  }
0x3e: {  	_ =	shalt  }
0x3f: {  	_ =	shalt  }
0x40: {  	_ =	shalt  }
0x41: {  	_ =	shalt  }
0x42: {  	_ =	shalt  }
0x43: {  	_ =	shalt  }
0x44: {  	_ =	shalt  }
0x45: {  	_ =	shalt  }
0x46: {  	_ =	shalt  }
0x47: {  	_ =	shalt  }
0x48: {  	_ =	shalt  }
0x49: {  	_ =	shalt  }
0x4a: {  	_ =	shalt  }
0x4b: {  	_ =	shalt  }
0x4c: {  	_ =	shalt  }
0x4d: {  	_ =	shalt  }
0x4e: {  	_ =	shalt  }
0x4f: {  	_ =	shalt  }
0x50: {  	_ =	shalt  }
0x51: {  	_ =	shalt  }
0x52: {  	_ =	shalt  }
0x53: {  	_ =	shalt  }
0x54: {  	_ =	shalt  }
0x55: {  	_ =	shalt  }
0x56: {  	_ =	shalt  }
0x57: {  	_ =	shalt  }
0x58: {  	_ =	shalt  }
0x59: {  	_ =	shalt  }
0x5a: {  	_ =	shalt  }
0x5b: {  	_ =	shalt  }
0x5c: {  	_ =	shalt  }
0x5d: {  	_ =	shalt  }
0x5e: {  	_ =	shalt  }
0x5f: {  	_ =	shalt  }
0x60: {  	_ =	shalt  }
0x61: {  	_ =	shalt  }
0x62: {  	_ =	shalt  }
0x63: {  	_ =	shalt  }
0x64: {  	_ =	shalt  }
0x65: {  	_ =	shalt  }
0x66: {  	_ =	shalt  }
0x67: {  	_ =	shalt  }
0x68: {  	_ =	shalt  }
0x69: {  	_ =	shalt  }
0x6a: {  	_ =	shalt  }
0x6b: {  	_ =	shalt  }
0x6c: {  	_ =	shalt  }
0x6d: {  	_ =	shalt  }
0x6e: {  	_ =	shalt  }
0x6f: {  	_ =	shalt  }
0x70: {  	_ =	shalt  }
0x71: {  	_ =	shalt  }
0x72: {  	_ =	shalt  }
0x73: {  	_ =	shalt  }
0x74: {  	_ =	shalt  }
0x75: {  	_ =	shalt  }
0x76: {  	_ =	shalt  }
0x77: {  	_ =	shalt  }
0x78: {  	_ =	shalt  }
0x79: {  	_ =	shalt  }
0x7a: {  	_ =	shalt  }
0x7b: {  	_ =	shalt  }
0x7c: {  	_ =	shalt  }
0x7d: {  	_ =	shalt  }
0x7e: {  	_ =	shalt  }
0x7f: {  	_ =	shalt  }
0x80: {  	_ =	shalt  }
0x81: {  	_ =	shalt  }
0x82: {  	_ =	shalt  }
0x83: {  	_ =	shalt  }
0x84: {  	_ =	shalt  }
0x85: {  	_ =	shalt  }
0x86: {  	_ =	shalt  }
0x87: {  	_ =	shalt  }
.Lfunc_end0:
.L_simem_size_0:
called_computation_lowered:
.L_overlay_start_0:
0x88: {  	s2 =	sld [smem:$0x3FD9]  }
0x89: {  	s3 =	sld [smem:$0x3FFE];
	_ =	sdelay $0x1  }
0x8a: {  	s1 =	srdreg.scid  }
0x8b: {  	s0 =	sand.u32 $0x1, s1  }
0x8c: {  	s14 =	sshll.u32 s0, $0xA;
	s2 =	sadd.s32 s3, s2  }
0x8d: {  	s2 =	sadd.s32 s2, s14  }
0x8e: {  	[smem:$0x3FC6] =	sst s2  }
0x8f: {  	_ = 	snop  }
0x90: {  	s2 =	sld [smem:$0x3FD0];
	_ =	sdelay $0x2  }
0x91: {  	s15 =	simm.s32 $0xA;
	s4 =	simm.s32 $0x10  }
0x92: {  	[smem:s4], [sflag:s15] =	dma.local [hbm:s2], $0x1  }
0x93: {  	_ =	swait.eq [sflag:s15], $0x1  }
0x94: {  	[sflag:s15] =	ssyncset.done $0x0  }
0x95: {  	[sflag:s15] =	ssyncadd.s32 $0xFFFFFFFF  }
0x96: {  	s16 =	sld [smem:$0x11];
	(tm) =	ssettm $0x1  }
0x97: {  	s17 =	sld [smem:$0x3FFB];
	_ =	sdelay $0x3  }
0x98: {  	_ =	strace s17  }
0x99: {  	s3 =	sld [smem:$0x3FFC];
	_ =	sdelay $0x3  }
0x9a: {  	_ =	strace s3  }
0x9b: {  	s3 =	sld [smem:$0x3FFD];
	_ =	sdelay $0x3  }
0x9c: {  	_ =	strace s3  }
0x9d: {  	_ =	strace $0x8FFFFFFF  }
0x9e: {  	s18 =	sld [smem:$0x3FDB];
	_ =	sdelay $0x1  }
0x9f: {  	s19 =	simm.s32 $_scs_section_size  }
0xa0: {  	s5 =	simm.s32 $_size__tile_overlayer_lowered;
	s6 =	simm.s32 $_tile_overlayer_lowered  }
0xa1: {  	s22 =	simm.s32 $0x1BFF;
	s21 =	sshll.u32 s6, $0x1;
	s3 =	sadd.s32 s19, s18  }
0xa2: {  	s7 =	simm.s32 $0x0;
	s20 =	sshll.u32 s5, $0x1;
	s5 =	sadd.s32 s21, s3  }
0xa3: {  	[timem:s7], [sflag:s22] =	dma.local [hbm:s5], s20  }
0xa4: {  	_ =	swait.ge [sflag:s22], s20  }
0xa5: {  	s4 =	ssub.s32 $0x0, s20;
	[sflag:s22] =	ssyncset.done $0x0  }
0xa6: {  	[sflag:s22] =	ssyncadd.s32 s4;
	_ =	sdelay $0x1  }
0xa7: {  	s23 =	simm.s32 $0x1B8B  }
0xa8: {  	_ =	swait.ge [sflag:s23], $0x1  }
0xa9: {  	[sflag:s23] =	ssyncset.done $0x0  }
0xaa: {  	s25 =	simm.s32 $0x1B8E;
	s24 =	sld [smem:$0x3FFE];
	[sflag:s23] =	ssyncadd.s32 $0xFFFFFFFF  }
0xab: {  	s26 =	simm.s32 $execute0_lowered;
	[smem:$0x3FD2] =	sst s25  }
0xac: {  	s5 =	sshll.u32 s26, $0x1;
	_ =	strace $0x80000046;
	[dreg:$0x1] =	wrdreg $0xFFFFFFFF  }
0xad: {  	s28 =	simm.s32 $_size_execute0_lowered;
	s3 =	sadd.s32 s3, s5;
	[dreg:$0x0] =	wrdreg $0x0  }
0xae: {  	s5 =	sshll.u32 s28, $0x1;
	[dreg:$0x2] =	wrdreg s3  }
0xaf: {  	[dreg:$0x3] =	wrdreg s5  }
0xb0: {  	[dreg:$0x4] =	wrdreg $0xC0  }
0xb1: {  	_ =	task [dreg:s7], $0x5FFFF  }
0xb2: {  	[dreg:$0x1] =	wrdreg $0xFFFFFFFF  }
0xb3: {  	[dreg:$0x0] =	wrdreg $0x60  }
0xb4: {  	[dreg:$0x2] =	wrdreg s24  }
0xb5: {  	[dreg:$0x3] =	wrdreg s16  }
0xb6: {  	[dreg:$0x4] =	wrdreg $0x9  }
0xb7: {  	_ =	task.clear_ibuf [dreg:s7], $0x5FFFF;
	_ =	strace $0x90000046  }
0xb8: {  	s29 =	simm.s32 $0x9;
	_ =	strace $0x80000048  }
0xb9: {  	_ =	swait.ge [sflag:s29], $0x1  }
0xba: {  	[sflag:s29] =	ssyncadd.s32 $0xFFFFFFFF  }
0xbb: {  	_ =	strace $0x90000048  }
0xbc: {  	_ =	sfence  }
0xbd: {  	s30 =	sld [smem:$0x0];
	_ =	sdelay $0x2  }
0xbe: {  	s31 =	sshll.u32 s1, $0xD;
	s1 =	sshrl.u32 s1, $0x2  }
0xbf: {  	s3 =	sand.u32 $0x4000, s31;
	s1 =	sadd.s32 s1, s30  }
0xc0: {  	s0 =	sor.u32 s3, s0;
	s1 =	sshll.u32 s1, $0x11  }
0xc1: {  	s0 =	sor.u32 s1, s0  }
0xc2: {  	s0 =	sadd.s32 $0x8F2B, s0  }
0xc3: {  	[sflag:s0] =	ssyncadd.remote.s32 $0x1  }
0xc4: {  	_ =	sfence.sel $0xFFFF  }
0xc5: {  	[dreg:$0x0] =	wrdreg $0xFFFFFFFF;
	(pc) =	sbr.abs _section_cstart, $3  }
0xc6: {  	[dreg:$0x1] =	wrdreg $0xFFFFFFFF  }
0xc7: {  	_ =	task.clear_ibuf [dreg:s7], $0x2FFFF;
	_ =	strace $0x9FFFFFFF  }
0xc8: {  	(tm) =	ssettm $0x7FFFFFFF  }
0xc9: {  	_ =	shalt  }
tec
execute0_lowered:
.L_overlay_start_1:
0x0: {  	(tag) =	ssettag $0x1  }
0x1: {  	s3 =	rddreg [dreg:$0x0]  }
0x2: {  	s6 =	rddreg [dreg:$0x1];
	s2 =	srdreg.scid  }
0x3: {  	s0 =	rddreg [dreg:$0x2];
	s1 =	stileid.u32;
	s10 =	simm.s32 $0x2000  }
0x4: {  	s11 =	simm.s32 $0x2400;
	s12 =	simm.s32 $0x2800;
	s13 =	simm.s32 $0x2C00  }
0x5: {  	s14 =	simm.s32 $0x0;
	s4 =	sand.u32 $0x1, s2;
	s2 =	simm.s32 $0x0  }
0x6: {  	s5 =	sshll.u32 s1, $0xB;
	s7 =	sshll.u32 s4, $0xA;
	[smem:$0x7FF] =	sst s2  }
0x7: {  	s4 =	ssub.s32 $0x2, s4;
	s5 =	sor.u32 s7, s5;
	_ =	strace $0x80000047  }
0x8: {  	s8 =	sshrl.u32 s4, $0x1;
	s7 =	sshrl.u32 s5, $0x3;
	s5 =	sadd.s32 s5, s3  }
0x9: {  	s8 =	ssub.s32 s4, s8;
	s9 =	sadd.s32 s7, s3;
	s3 =	sadd.s32 $0xC00, s5  }
0xa: {  	s6 =	sadd.s32 s6, s7;
	s8 =	smax.u32 s8, $0x1;
	s4 =	sadd.s32 $0x9C00, s9  }
0xb: {  	v0 =	vimm.s32 $0x7;
	s5 =	sadd.s32 $0xAC00, s9;
	s7 =	sadd.s32 $0x8C00, s9;
	s9 =	simm.s32 $0x1  }
.LBB2_1:
0xc: {  	[tilespmem:s2], [sflag:$0x1] =	stream.linear.gather [hbm4b:s3+s2], $0x2000, $0x38;
	[tilespmem:$0x3000] =	vst v63  }
0xd: {  	_ =	swait.ge [sflag:s9], $0x2000  }
0xe: {  	s15 =	sand.u32 $0x70, s2;
	s16 =	sand.u32 $0x1C00, s2;
	[sflag:s9] =	ssyncset.done $0x0  }
0xf: {  	s15 =	sor.u32 s15, s16;
	[sflag:s9] =	ssyncadd.s32 $0xFFFFE000  }
0x10: {  	v1 =	vld [tilespmem:s15+$0x0]  }
0x11: {  	v2 =	vld [tilespmem:s15+$0x80]  }
0x12: {  	v3 =	vld [tilespmem:s15+$0x100]  }
0x13: {  	v4 =	vld [tilespmem:s15+$0x180]  }
0x14: {  	v5 =	vld [tilespmem:s15+$0x200]  }
0x15: {  	v6 =	vld [tilespmem:s15+$0x280]  }
0x16: {  	v7 =	vld [tilespmem:s15+$0x300];
	v8 =	vmax.f32 v1, v2  }
0x17: {  	v9 =	vld [tilespmem:s15+$0x380];
	v8 =	vmax.f32 v8, v3  }
0x18: {  	v8 =	vmax.f32 v8, v4  }
0x19: {  	v8 =	vmax.f32 v8, v5  }
0x1a: {  	v8 =	vmax.f32 v8, v6  }
0x1b: {  	v8 =	vmax.f32 v8, v7  }
0x1c: {  	v8 =	vmax.f32 v8, v9  }
0x1d: {  	vm0 =	veq.f32 v7, v8  }
0x1e: {  	vm1 =	veq.f32 v6, v8;
	v10 =	vsel vm0, $0x6, v0  }
0x1f: {  	vm0 =	veq.f32 v5, v8;
	v10 =	vsel vm1, $0x5, v10  }
0x20: {  	vm1 =	veq.f32 v4, v8;
	v10 =	vsel vm0, $0x4, v10  }
0x21: {  	vm0 =	veq.f32 v3, v8;
	v10 =	vsel vm1, $0x3, v10  }
0x22: {  	vm1 =	veq.f32 v2, v8;
	v10 =	vsel vm0, $0x2, v10  }
0x23: {  	vm0 =	vne.f32 v1, v8;
	v10 =	vsel vm1, $0x1, v10  }
0x24: {  	vm1 =	vmand vm0, vm1;
	v10 =	vnsel vm0, $0x0, v10  }
0x25: {  	v1 =	vnsel vm0, $0xBF800000, v1;
	v2 =	vsel vm1, $0xBF800000, v2;
	vm0 =	veq.s32 v10, $0x2  }
0x26: {  	v11 =	vmax.f32 v1, v2;
	vm1 =	veq.s32 v10, $0x3;
	v3 =	vsel vm0, $0xBF800000, v3  }
0x27: {  	vm0 =	veq.s32 v10, $0x4;
	v4 =	vsel vm1, $0xBF800000, v4;
	v11 =	vmax.f32 v11, v3  }
0x28: {  	vm1 =	veq.s32 v10, $0x5;
	v5 =	vsel vm0, $0xBF800000, v5;
	v11 =	vmax.f32 v11, v4  }
0x29: {  	vm0 =	veq.s32 v10, $0x6;
	v6 =	vsel vm1, $0xBF800000, v6;
	v11 =	vmax.f32 v11, v5  }
0x2a: {  	vm1 =	veq.s32 v10, $0x7;
	v7 =	vsel vm0, $0xBF800000, v7;
	v11 =	vmax.f32 v11, v6  }
0x2b: {  	v9 =	vsel vm1, $0xBF800000, v9;
	v11 =	vmax.f32 v11, v7  }
0x2c: {  	v9 =	vmax.f32 v11, v9  }
0x2d: {  	vm0 =	veq.f32 v7, v9  }
0x2e: {  	vm1 =	veq.f32 v6, v9;
	v61 =	vsel vm0, $0x6, v0  }
0x2f: {  	vm0 =	veq.f32 v5, v9;
	v62 =	vsel vm1, $0x5, v61  }
0x30: {  	s17 =	simm.s32 $0x2C10;
	[tilespmem:s10+$0x0] =	vst v8;
	vm1 =	veq.f32 v4, v9;
	v63 =	vsel vm0, $0x4, v62  }
0x31: {  	s18 =	simm.s32 $0x0;
	s20 =	simm.s32 $0x2000;
	s21 =	simm.s32 $0x2400;
	[tilespmem:s11+$0x0] =	vst v9;
	vm2 =	veq.f32 v3, v9;
	v3 =	vsel vm1, $0x3, v63  }
0x32: {  	s19 =	simm.s32 $0x2C00;
	s16 =	simm.s32 $0x2810;
	s15 =	simm.s32 $0x10;
	[tilespmem:s12+$0x0] =	vst v10;
	vm0 =	veq.f32 v1, v9;
	vm1 =	veq.f32 v2, v9;
	v1 =	vsel vm2, $0x2, v3  }
.LBB2_2:
0x33: {  	v1 =	vsel vm1, $0x1, v1;
	s18 =	sadd.s32 $0x80, s18;
	s20 =	sadd.s32 $0x10, s20;
	s21 =	sadd.s32 $0x10, s21  }
0x34: {  	s22 =	sand.u32 $0x70, s15;
	p0 =	sne.s32 s15, $0x3F0;
	s23 =	sand.u32 $0x1C00, s18;
	v1 =	vsel vm0, $0x0, v1  }
0x35: {  	s15 =	sadd.s32 $0x10, s15;
	s22 =	sor.u32 s22, s23;
	[tilespmem:s19+$0x0] =	vst v1;
	s19 =	smov.u32 s17  }
0x36: {  	v1 =	vld [tilespmem:s22+$0x100]  }
0x37: {  	v2 =	vld [tilespmem:s22+$0x0]  }
0x38: {  	v3 =	vld [tilespmem:s22+$0x80]  }
0x39: {  	v4 =	vld [tilespmem:s22+$0x180]  }
0x3a: {  	v5 =	vld [tilespmem:s22+$0x200]  }
0x3b: {  	v6 =	vld [tilespmem:s22+$0x280]  }
0x3c: {  	v7 =	vld [tilespmem:s22+$0x300]  }
0x3d: {  	v8 =	vld [tilespmem:s22+$0x380];
	v9 =	vmax.f32 v2, v3  }
0x3e: {  	v9 =	vmax.f32 v9, v1  }
0x3f: {  	v9 =	vmax.f32 v9, v4  }
0x40: {  	v9 =	vmax.f32 v9, v5  }
0x41: {  	v9 =	vmax.f32 v9, v6  }
0x42: {  	v9 =	vmax.f32 v9, v7  }
0x43: {  	v9 =	vmax.f32 v9, v8  }
0x44: {  	vm0 =	veq.f32 v7, v9;
	vm1 =	veq.f32 v6, v9;
	vm2 =	vne.f32 v2, v9;
	[tilespmem:s20+$0x0] =	vst v9  }
0x45: {  	vm3 =	veq.f32 v3, v9;
	v10 =	vsel vm0, $0x6, v0;
	vm0 =	veq.f32 v5, v9  }
0x46: {  	vm4 =	vmand vm2, vm3;
	v10 =	vsel vm1, $0x5, v10;
	vm1 =	veq.f32 v4, v9  }
0x47: {  	v3 =	vsel vm4, $0xBF800000, v3;
	v10 =	vsel vm0, $0x4, v10;
	vm0 =	veq.f32 v1, v9  }
0x48: {  	v2 =	vnsel vm2, $0xBF800000, v2;
	v9 =	vsel vm1, $0x3, v10  }
0x49: {  	v9 =	vsel vm0, $0x2, v9  }
0x4a: {  	v9 =	vsel vm3, $0x1, v9  }
0x4b: {  	v10 =	vmax.f32 v2, v3;
	v9 =	vnsel vm2, $0x0, v9  }
0x4c: {  	vm0 =	veq.s32 v9, $0x2;
	vm1 =	veq.s32 v9, $0x3;
	vm2 =	veq.s32 v9, $0x4  }
0x4d: {  	v1 =	vsel vm0, $0xBF800000, v1;
	v4 =	vsel vm1, $0xBF800000, v4;
	vm0 =	veq.s32 v9, $0x5  }
0x4e: {  	v5 =	vsel vm2, $0xBF800000, v5;
	vm1 =	veq.s32 v9, $0x6;
	v10 =	vmax.f32 v10, v1  }
0x4f: {  	v6 =	vsel vm0, $0xBF800000, v6;
	vm0 =	veq.s32 v9, $0x7;
	v10 =	vmax.f32 v10, v4  }
0x50: {  	v7 =	vsel vm1, $0xBF800000, v7;
	v10 =	vmax.f32 v10, v5  }
0x51: {  	v8 =	vsel vm0, $0xBF800000, v8;
	v10 =	vmax.f32 v10, v6  }
0x52: {  	v10 =	vmax.f32 v10, v7  }
0x53: {  	v8 =	vmax.f32 v10, v8  }
0x54: {  	vm0 =	veq.f32 v7, v8;
	vm1 =	veq.f32 v6, v8;
	vm2 =	veq.f32 v5, v8;
	[tilespmem:s21+$0x0] =	vst v8  }
.Ltmp0:
0x55: {  	vm3 =	veq.f32 v4, v8;
	vm4 =	veq.f32 v1, v8;
	v5 =	vsel vm0, $0x6, v0;
	[tilespmem:s16+$0x0] =	vst v9;
	(pc) =	sbr.rel @p0 .LBB2_2-.Ltmp0, $4  }
0x56: {  	vm0 =	veq.f32 v2, v8;
	v1 =	vsel vm1, $0x5, v5;
	vm1 =	veq.f32 v3, v8  }
0x57: {  	v1 =	vsel vm2, $0x4, v1  }
0x58: {  	v1 =	vsel vm3, $0x3, v1  }
0x59: {  	s17 =	sadd.s32 $0x10, s17;
	s16 =	sadd.s32 $0x10, s16;
	v1 =	vsel vm4, $0x2, v1  }
0x5a: {  	v1 =	vsel vm1, $0x1, v1  }
0x5b: {  	v1 =	vsel vm0, $0x0, v1  }
0x5c: {  	[tilespmem:s19+$0x0] =	vst v1  }
0x5d: {  	[hbm4b:s4+s2] =	stream.linear.scatter [tilespmem:s10], [sflag:$0x1], $0x400, $0x38;
	[tilespmem:$0x3000] =	vst v63  }
0x5e: {  	_ =	swait.ge [sflag:s9], $0x400  }
0x5f: {  	[sflag:s9] =	ssyncset.done $0x0  }
0x60: {  	[sflag:s9] =	ssyncadd.s32 $0xFFFFFC00  }
0x61: {  	[hbm4b:s5+s2] =	stream.linear.scatter [tilespmem:s11], [sflag:$0x1], $0x400, $0x38;
	[tilespmem:$0x3000] =	vst v63  }
0x62: {  	_ =	swait.ge [sflag:s9], $0x400  }
0x63: {  	[sflag:s9] =	ssyncset.done $0x0  }
0x64: {  	[sflag:s9] =	ssyncadd.s32 $0xFFFFFC00  }
0x65: {  	[hbm4b:s6+s2] =	stream.linear.scatter [tilespmem:s12], [sflag:$0x1], $0x400, $0x38;
	[tilespmem:$0x3000] =	vst v63  }
0x66: {  	s14 =	sadd.s32 $0x1, s14;
	_ =	swait.ge [sflag:s9], $0x400  }
0x67: {  	p0 =	sne.s32 s14, s8;
	[sflag:s9] =	ssyncset.done $0x0  }
.Ltmp1:
0x68: {  	[sflag:s9] =	ssyncadd.s32 $0xFFFFFC00;
	(pc) =	sbr.rel @p0 .LBB2_1-.Ltmp1, $4  }
0x69: {  	[hbm4b:s7+s2] =	stream.linear.scatter [tilespmem:s13], [sflag:$0x1], $0x400, $0x38;
	[tilespmem:$0x3000] =	vst v63  }
0x6a: {  	_ =	swait.ge [sflag:s9], $0x400  }
0x6b: {  	[sflag:s9] =	ssyncset.done $0x0  }
0x6c: {  	[sflag:s9] =	ssyncadd.s32 $0xFFFFFC00  }
0x6d: {  	_ =	sfence.sel $0x180000  }
0x6e: {  	[bflag:$0x0] =	sbarrier.arrive $0xFFFF  }
0x6f: {  	p0 =	sne.s32 s1, $0x0;
	_ =	strace $0x90000047  }
0x70: {  	s0 =	sadd.s32 @!p0 $0x100000, s0;
	[bflag:$0x2] =	sbarrier.arrive $0xFFFF  }
0x71: {  	[sflag:s0] =	ssyncadd.tile.s32 @!p0 $0x1;
	_ =	shalt  }
.Lfunc_end2:
_tile_overlayer_lowered:
.L_overlay_start_2:
0x72: {  	(tag) =	ssettag $0x2  }
0x73: {  	s0 =	rddreg [dreg:$0x0];
	s2 =	stileid.u32  }
0x74: {  	s1 =	rddreg [dreg:$0x1];
	p0 =	sne.s32 s2, $0x0  }
0x75: {  	s3 =	rddreg [dreg:$0x2];
	[bflag:$0x3] =	sbarrier.arrive $0xFFFF;
	s2 =	simm.s32 @!p0 $0x1C01  }
0x76: {  	[timem:s3], [sflag:s2] =	dma.local @!p0 [hbm:s0], s1  }
0x77: {  	s0 =	simm.s32 @!p0 $0x1  }
0x78: {  	_ =	swait.ge @!p0 [sflag:s0], s1  }
0x79: {  	s1 =	ssub.s32 @!p0 $0x0, s1;
	[sflag:s0] =	ssyncset.done @!p0 $0x0  }
0x7a: {  	[sflag:s0] =	ssyncadd.s32 @!p0 s1  }
0x7b: {  	[bflag:$0x3] =	sbarrier.arrive $0xFFFF  }
0x7c: {  	_ =	shalt  }

</sc_bundles>
